<compile_context>
chip_gen: v7x
topology: tpu7x:2x2x1
jax: 0.10.2.dev20260603
libtpu: 0.0.44.dev20260713+nightly
codegen_flags: <defaults>
</compile_context>

<pallas_src>
import functools

import jax
import jax.numpy as jnp
from jax import lax
from jax.experimental import pallas as pl
from jax.experimental.pallas import tpu as pltpu
from jax.experimental.pallas import tpu_sc as plsc

TOKENS = 32768
EMBED_DIM = 768
NUM_EXPERTS = 8
TOP_K = 2
BLOCK = 4096

_SC_INFO = plsc.get_sparse_core_info()
_NC = _SC_INFO.num_cores
_NS = _SC_INFO.num_subcores
_NW = _NC * _NS
_PER_W = TOKENS // _NW
_LANES = 16
_CHUNKS = _PER_W // _LANES


def _logits_kernel(x_ref, w_ref, logits_ref):
    x = x_ref[...]
    w = w_ref[...]
    logits = jax.lax.dot_general(
        x, w, (((1,), (1,)), ((), ())), preferred_element_type=jnp.float32
    )
    logits_ref[...] = logits.T


def _sc_top2_kernel(logits_hbm, idx_hbm, wgt_hbm, lg_v, idx_v, wgt_v):
    wid = lax.axis_index("s") * _NC + lax.axis_index("c")
    base = wid * _PER_W
    pltpu.sync_copy(logits_hbm.at[:, pl.ds(base, _PER_W)], lg_v)

    def body(ci, _):
        off = ci * _LANES
        rows = [lg_v[r, pl.ds(off, _LANES)] for r in range(NUM_EXPERTS)]
        m1 = rows[0]
        i1 = jnp.zeros((_LANES,), jnp.int32)
        for r in range(1, NUM_EXPERTS):
            gt = rows[r] > m1
            m1 = jnp.where(gt, rows[r], m1)
            i1 = jnp.where(gt, jnp.full((_LANES,), r, jnp.int32), i1)
        neg = jnp.full((_LANES,), -jnp.inf, jnp.float32)
        m2 = neg
        i2 = jnp.zeros((_LANES,), jnp.int32)
        for r in range(NUM_EXPERTS):
            rv = jnp.full((_LANES,), r, jnp.int32)
            cand = jnp.where(i1 == rv, neg, rows[r])
            gt = cand > m2
            m2 = jnp.where(gt, cand, m2)
            i2 = jnp.where(gt, rv, i2)
        w1 = 1.0 / (1.0 + jnp.exp(m2 - m1))
        w2 = 1.0 - w1
        idx_v[0, pl.ds(off, _LANES)] = i1
        idx_v[1, pl.ds(off, _LANES)] = i2
        wgt_v[0, pl.ds(off, _LANES)] = w1
        wgt_v[1, pl.ds(off, _LANES)] = w2
        return ()

    lax.fori_loop(0, _CHUNKS, body, ())

    pltpu.sync_copy(idx_v, idx_hbm.at[:, pl.ds(base, _PER_W)])
    pltpu.sync_copy(wgt_v, wgt_hbm.at[:, pl.ds(base, _PER_W)])


_sc_top2 = functools.partial(
    pl.kernel,
    mesh=plsc.VectorSubcoreMesh(core_axis_name="c", subcore_axis_name="s"),
    out_type=[
        jax.ShapeDtypeStruct((TOP_K, TOKENS), jnp.int32),
        jax.ShapeDtypeStruct((TOP_K, TOKENS), jnp.float32),
    ],
    scratch_types=[
        pltpu.VMEM((NUM_EXPERTS, _PER_W), jnp.float32),
        pltpu.VMEM((TOP_K, _PER_W), jnp.int32),
        pltpu.VMEM((TOP_K, _PER_W), jnp.float32),
    ],
)(_sc_top2_kernel)


@jax.jit
def kernel(x, W):
    nb = TOKENS // BLOCK
    logits_t = pl.pallas_call(
        _logits_kernel,
        grid=(nb,),
        in_specs=[
            pl.BlockSpec((BLOCK, EMBED_DIM), lambda i: (i, 0)),
            pl.BlockSpec((NUM_EXPERTS, EMBED_DIM), lambda i: (0, 0)),
        ],
        out_specs=[
            pl.BlockSpec((NUM_EXPERTS, BLOCK), lambda i: (0, i)),
        ],
        compiler_params=pltpu.CompilerParams(
            dimension_semantics=("arbitrary",),
        ),
        out_shape=[
            jax.ShapeDtypeStruct((NUM_EXPERTS, TOKENS), jnp.float32),
        ],
    )(x, W)[0]
    idx_t, wgt_t = _sc_top2(logits_t)
    return idx_t.T, wgt_t.T, logits_t.T

# --- scband reference (transcript-rebuilt; emitter-appended) ---
"""Pipeline reference for scband-router-13572096655869 (READ-ONLY COPY).

The authoritative reference and input builder live on the scoring server;
editing this copy changes nothing except your own understanding.
"""

import jax, jax.numpy as jnp
import numpy as np

TOKENS = 32768
EMBED_DIM = 768
NUM_EXPERTS = 8
TOP_K = 2


def setup_inputs(seed: int = 0) -> dict:
    key = jax.random.key(seed)
    kx, kw = jax.random.split(key)
    x = jax.random.normal(kx, (TOKENS, EMBED_DIM), dtype=jnp.float32)
    # nn.Linear(embed_dim, num_experts, bias=False) weight: [num_experts, embed_dim]
    bound = 1.0 / np.sqrt(EMBED_DIM)
    W = jax.random.uniform(kw, (NUM_EXPERTS, EMBED_DIM), dtype=jnp.float32, minval=-bound, maxval=bound)
    return {"x": x, "W": W}


def reference(x, W):
    logits = x @ W.T
    probs = jax.nn.softmax(logits, axis=-1)
    weights, indices = jax.lax.top_k(probs, TOP_K)
    weights = weights / jnp.sum(weights, axis=-1, keepdims=True)
    return (indices, weights, logits)

if __name__ == "__main__":
    import jax
    _d = setup_inputs()
    print(jax.jit(kernel)(*tuple(_d.values())))

</pallas_src>

<mosaic_0001>
#map = affine_map<(d0, d1) -> (0, 0)>
module attributes {stable_mosaic.version = 14 : i64} {
  func.func @_sc_top2_kernel(%arg0: i32, %arg1: i32, %arg2: memref<8x32768xf32, #tpu.memory_space<hbm>>, %arg3: memref<2x32768xi32, #tpu.memory_space<hbm>>, %arg4: memref<2x32768xf32, #tpu.memory_space<hbm>>, %arg5: memref<8x1024xf32, #tpu.memory_space<vmem>>, %arg6: memref<2x1024xi32, #tpu.memory_space<vmem>>, %arg7: memref<2x1024xf32, #tpu.memory_space<vmem>>) attributes {dimension_semantics = [#tpu.dimension_semantics<core_parallel>, #tpu.dimension_semantics<subcore_parallel>], iteration_bounds = array<i64: 2, 16>, scalar_prefetch = 0 : i64, scratch_operands = 3 : i64, tpu.core_type = #tpu.core_type<sc_vector_subcore>, window_params = [{transform_indices = #map}, {transform_indices = #map}, {transform_indices = #map}]} {
    %mul3A = arith.constant 2 : i32
    %mul3A_0 = arith.muli %arg1, %mul3A : i32
    %add3A = arith.addi %mul3A_0, %arg0 : i32
    %mul3A_1 = arith.constant 1024 : i32
    %mul3A_2 = arith.muli %add3A, %mul3A_1 : i32
    "tpu.region"() ({
      %run_scoped3A = tpu.sem_alloc : memref<!tpu.dma_semaphore, #tpu.memory_space<semaphore_mem>>
      %dma_start3A = arith.constant 0 : i32
      %dma_start3A_7 = tpu.memref_slice %arg2[%dma_start3A, %mul3A_2] : memref<8x32768xf32, #tpu.memory_space<hbm>> -> memref<8x1024xf32, #tpu.memory_space<hbm>>
      %dma_start3A_8 = arith.constant 0 : i32
      %dma_start3A_9 = tpu.memref_slice %arg2[%dma_start3A_8, %mul3A_2] : memref<8x32768xf32, #tpu.memory_space<hbm>> -> memref<8x1024xf32, #tpu.memory_space<hbm>>
      tpu.enqueue_dma source(%dma_start3A_9 : memref<8x1024xf32, #tpu.memory_space<hbm>>) target(%arg5 : memref<8x1024xf32, #tpu.memory_space<vmem>>) target_semaphore(%run_scoped3A : memref<!tpu.dma_semaphore, #tpu.memory_space<semaphore_mem>>)
      %dma_wait3A = arith.constant 0 : i32
      %dma_wait3A_10 = tpu.memref_slice %arg2[%dma_wait3A, %mul3A_2] : memref<8x32768xf32, #tpu.memory_space<hbm>> -> memref<8x1024xf32, #tpu.memory_space<hbm>>
      %dma_wait3A_11 = arith.constant 0 : i32
      %dma_wait3A_12 = tpu.memref_slice %arg2[%dma_wait3A_11, %mul3A_2] : memref<8x32768xf32, #tpu.memory_space<hbm>> -> memref<8x1024xf32, #tpu.memory_space<hbm>>
      tpu.wait_dma2 semaphore(%run_scoped3A : memref<!tpu.dma_semaphore, #tpu.memory_space<semaphore_mem>>) src(%dma_wait3A_12 : memref<8x1024xf32, #tpu.memory_space<hbm>>) dst(%arg5 : memref<8x1024xf32, #tpu.memory_space<vmem>>)
      tpu.yield
    }) : () -> ()
    %scan3A = arith.constant 0 : i32
    %scan3A_3 = arith.constant 64 : i32
    %scan3A_4 = arith.addi %scan3A, %scan3A_3 : i32
    %scan3A_5 = arith.constant 1 : i32
    scf.for %scan3A_7 = %scan3A to %scan3A_4 step %scan3A_5  : i32 {
      %mul3A_8 = arith.constant 16 : i32
      %mul3A_9 = arith.muli %scan3A_7, %mul3A_8 : i32
      %get3A = arith.constant 0 : i32
      %get3A_10 = arith.index_cast %get3A : i32 to index
      %get3A_11 = arith.index_cast %mul3A_9 : i32 to index
      %get3A_12 = tpu.vector_load %arg5[%get3A_10, %get3A_11] {strides = array<i32>} : memref<8x1024xf32, #tpu.memory_space<vmem>>, vector<1x16xf32>,
      %get3A_13 = vector.shape_cast %get3A_12 : vector<1x16xf32> to vector<16xf32>
      %get3A_14 = arith.constant 1 : i32
      %get3A_15 = arith.index_cast %get3A_14 : i32 to index
      %get3A_16 = arith.index_cast %mul3A_9 : i32 to index
      %get3A_17 = tpu.vector_load %arg5[%get3A_15, %get3A_16] {strides = array<i32>} : memref<8x1024xf32, #tpu.memory_space<vmem>>, vector<1x16xf32>,
      %get3A_18 = vector.shape_cast %get3A_17 : vector<1x16xf32> to vector<16xf32>
      %get3A_19 = arith.constant 2 : i32
      %get3A_20 = arith.index_cast %get3A_19 : i32 to index
      %get3A_21 = arith.index_cast %mul3A_9 : i32 to index
      %get3A_22 = tpu.vector_load %arg5[%get3A_20, %get3A_21] {strides = array<i32>} : memref<8x1024xf32, #tpu.memory_space<vmem>>, vector<1x16xf32>,
      %get3A_23 = vector.shape_cast %get3A_22 : vector<1x16xf32> to vector<16xf32>
      %get3A_24 = arith.constant 3 : i32
      %get3A_25 = arith.index_cast %get3A_24 : i32 to index
      %get3A_26 = arith.index_cast %mul3A_9 : i32 to index
      %get3A_27 = tpu.vector_load %arg5[%get3A_25, %get3A_26] {strides = array<i32>} : memref<8x1024xf32, #tpu.memory_space<vmem>>, vector<1x16xf32>,
      %get3A_28 = vector.shape_cast %get3A_27 : vector<1x16xf32> to vector<16xf32>
      %get3A_29 = arith.constant 4 : i32
      %get3A_30 = arith.index_cast %get3A_29 : i32 to index
      %get3A_31 = arith.index_cast %mul3A_9 : i32 to index
      %get3A_32 = tpu.vector_load %arg5[%get3A_30, %get3A_31] {strides = array<i32>} : memref<8x1024xf32, #tpu.memory_space<vmem>>, vector<1x16xf32>,
      %get3A_33 = vector.shape_cast %get3A_32 : vector<1x16xf32> to vector<16xf32>
      %get3A_34 = arith.constant 5 : i32
      %get3A_35 = arith.index_cast %get3A_34 : i32 to index
      %get3A_36 = arith.index_cast %mul3A_9 : i32 to index
      %get3A_37 = tpu.vector_load %arg5[%get3A_35, %get3A_36] {strides = array<i32>} : memref<8x1024xf32, #tpu.memory_space<vmem>>, vector<1x16xf32>,
      %get3A_38 = vector.shape_cast %get3A_37 : vector<1x16xf32> to vector<16xf32>
      %get3A_39 = arith.constant 6 : i32
      %get3A_40 = arith.index_cast %get3A_39 : i32 to index
      %get3A_41 = arith.index_cast %mul3A_9 : i32 to index
      %get3A_42 = tpu.vector_load %arg5[%get3A_40, %get3A_41] {strides = array<i32>} : memref<8x1024xf32, #tpu.memory_space<vmem>>, vector<1x16xf32>,
      %get3A_43 = vector.shape_cast %get3A_42 : vector<1x16xf32> to vector<16xf32>
      %get3A_44 = arith.constant 7 : i32
      %get3A_45 = arith.index_cast %get3A_44 : i32 to index
      %get3A_46 = arith.index_cast %mul3A_9 : i32 to index
      %get3A_47 = tpu.vector_load %arg5[%get3A_45, %get3A_46] {strides = array<i32>} : memref<8x1024xf32, #tpu.memory_space<vmem>>, vector<1x16xf32>,
      %get3A_48 = vector.shape_cast %get3A_47 : vector<1x16xf32> to vector<16xf32>
      %broadcast_in_dim3A = arith.constant 0 : i32
      %broadcast_in_dim3A_49 = vector.broadcast %broadcast_in_dim3A : i32 to vector<16xi32>
      %gt3A = arith.cmpf ogt, %get3A_18, %get3A_13 : vector<16xf32>
      %select_n3A = arith.select %gt3A, %get3A_18, %get3A_13 : vector<16xi1>, vector<16xf32>
      %broadcast_in_dim3A_50 = arith.constant 1 : i32
      %broadcast_in_dim3A_51 = vector.broadcast %broadcast_in_dim3A_50 : i32 to vector<16xi32>
      %select_n3A_52 = arith.select %gt3A, %broadcast_in_dim3A_51, %broadcast_in_dim3A_49 : vector<16xi1>, vector<16xi32>
      %gt3A_53 = arith.cmpf ogt, %get3A_23, %select_n3A : vector<16xf32>
      %select_n3A_54 = arith.select %gt3A_53, %get3A_23, %select_n3A : vector<16xi1>, vector<16xf32>
      %broadcast_in_dim3A_55 = arith.constant 2 : i32
      %broadcast_in_dim3A_56 = vector.broadcast %broadcast_in_dim3A_55 : i32 to vector<16xi32>
      %select_n3A_57 = arith.select %gt3A_53, %broadcast_in_dim3A_56, %select_n3A_52 : vector<16xi1>, vector<16xi32>
      %gt3A_58 = arith.cmpf ogt, %get3A_28, %select_n3A_54 : vector<16xf32>
      %select_n3A_59 = arith.select %gt3A_58, %get3A_28, %select_n3A_54 : vector<16xi1>, vector<16xf32>
      %broadcast_in_dim3A_60 = arith.constant 3 : i32
      %broadcast_in_dim3A_61 = vector.broadcast %broadcast_in_dim3A_60 : i32 to vector<16xi32>
      %select_n3A_62 = arith.select %gt3A_58, %broadcast_in_dim3A_61, %select_n3A_57 : vector<16xi1>, vector<16xi32>
      %gt3A_63 = arith.cmpf ogt, %get3A_33, %select_n3A_59 : vector<16xf32>
      %select_n3A_64 = arith.select %gt3A_63, %get3A_33, %select_n3A_59 : vector<16xi1>, vector<16xf32>
      %broadcast_in_dim3A_65 = arith.constant 4 : i32
      %broadcast_in_dim3A_66 = vector.broadcast %broadcast_in_dim3A_65 : i32 to vector<16xi32>
      %select_n3A_67 = arith.select %gt3A_63, %broadcast_in_dim3A_66, %select_n3A_62 : vector<16xi1>, vector<16xi32>
      %gt3A_68 = arith.cmpf ogt, %get3A_38, %select_n3A_64 : vector<16xf32>
      %select_n3A_69 = arith.select %gt3A_68, %get3A_38, %select_n3A_64 : vector<16xi1>, vector<16xf32>
      %broadcast_in_dim3A_70 = arith.constant 5 : i32
      %broadcast_in_dim3A_71 = vector.broadcast %broadcast_in_dim3A_70 : i32 to vector<16xi32>
      %select_n3A_72 = arith.select %gt3A_68, %broadcast_in_dim3A_71, %select_n3A_67 : vector<16xi1>, vector<16xi32>
      %gt3A_73 = arith.cmpf ogt, %get3A_43, %select_n3A_69 : vector<16xf32>
      %select_n3A_74 = arith.select %gt3A_73, %get3A_43, %select_n3A_69 : vector<16xi1>, vector<16xf32>
      %broadcast_in_dim3A_75 = arith.constant 6 : i32
      %broadcast_in_dim3A_76 = vector.broadcast %broadcast_in_dim3A_75 : i32 to vector<16xi32>
      %select_n3A_77 = arith.select %gt3A_73, %broadcast_in_dim3A_76, %select_n3A_72 : vector<16xi1>, vector<16xi32>
      %gt3A_78 = arith.cmpf ogt, %get3A_48, %select_n3A_74 : vector<16xf32>
      %select_n3A_79 = arith.select %gt3A_78, %get3A_48, %select_n3A_74 : vector<16xi1>, vector<16xf32>
      %broadcast_in_dim3A_80 = arith.constant 7 : i32
      %broadcast_in_dim3A_81 = vector.broadcast %broadcast_in_dim3A_80 : i32 to vector<16xi32>
      %select_n3A_82 = arith.select %gt3A_78, %broadcast_in_dim3A_81, %select_n3A_77 : vector<16xi1>, vector<16xi32>
      %broadcast_in_dim3A_83 = arith.constant 0xFF800000 : f32
      %broadcast_in_dim3A_84 = vector.broadcast %broadcast_in_dim3A_83 : f32 to vector<16xf32>
      %broadcast_in_dim3A_85 = arith.constant 0 : i32
      %broadcast_in_dim3A_86 = vector.broadcast %broadcast_in_dim3A_85 : i32 to vector<16xi32>
      %broadcast_in_dim3A_87 = arith.constant 0 : i32
      %broadcast_in_dim3A_88 = vector.broadcast %broadcast_in_dim3A_87 : i32 to vector<16xi32>
      %eq3A = arith.cmpi eq, %select_n3A_82, %broadcast_in_dim3A_88 : vector<16xi32>
      %select_n3A_89 = arith.select %eq3A, %broadcast_in_dim3A_84, %get3A_13 : vector<16xi1>, vector<16xf32>
      %gt3A_90 = arith.cmpf ogt, %select_n3A_89, %broadcast_in_dim3A_84 : vector<16xf32>
      %select_n3A_91 = arith.select %gt3A_90, %select_n3A_89, %broadcast_in_dim3A_84 : vector<16xi1>, vector<16xf32>
      %select_n3A_92 = arith.select %gt3A_90, %broadcast_in_dim3A_88, %broadcast_in_dim3A_86 : vector<16xi1>, vector<16xi32>
      %broadcast_in_dim3A_93 = arith.constant 1 : i32
      %broadcast_in_dim3A_94 = vector.broadcast %broadcast_in_dim3A_93 : i32 to vector<16xi32>
      %eq3A_95 = arith.cmpi eq, %select_n3A_82, %broadcast_in_dim3A_94 : vector<16xi32>
      %select_n3A_96 = arith.select %eq3A_95, %broadcast_in_dim3A_84, %get3A_18 : vector<16xi1>, vector<16xf32>
      %gt3A_97 = arith.cmpf ogt, %select_n3A_96, %select_n3A_91 : vector<16xf32>
      %select_n3A_98 = arith.select %gt3A_97, %select_n3A_96, %select_n3A_91 : vector<16xi1>, vector<16xf32>
      %select_n3A_99 = arith.select %gt3A_97, %broadcast_in_dim3A_94, %select_n3A_92 : vector<16xi1>, vector<16xi32>
      %broadcast_in_dim3A_100 = arith.constant 2 : i32
      %broadcast_in_dim3A_101 = vector.broadcast %broadcast_in_dim3A_100 : i32 to vector<16xi32>
      %eq3A_102 = arith.cmpi eq, %select_n3A_82, %broadcast_in_dim3A_101 : vector<16xi32>
      %select_n3A_103 = arith.select %eq3A_102, %broadcast_in_dim3A_84, %get3A_23 : vector<16xi1>, vector<16xf32>
      %gt3A_104 = arith.cmpf ogt, %select_n3A_103, %select_n3A_98 : vector<16xf32>
      %select_n3A_105 = arith.select %gt3A_104, %select_n3A_103, %select_n3A_98 : vector<16xi1>, vector<16xf32>
      %select_n3A_106 = arith.select %gt3A_104, %broadcast_in_dim3A_101, %select_n3A_99 : vector<16xi1>, vector<16xi32>
      %broadcast_in_dim3A_107 = arith.constant 3 : i32
      %broadcast_in_dim3A_108 = vector.broadcast %broadcast_in_dim3A_107 : i32 to vector<16xi32>
      %eq3A_109 = arith.cmpi eq, %select_n3A_82, %broadcast_in_dim3A_108 : vector<16xi32>
      %select_n3A_110 = arith.select %eq3A_109, %broadcast_in_dim3A_84, %get3A_28 : vector<16xi1>, vector<16xf32>
      %gt3A_111 = arith.cmpf ogt, %select_n3A_110, %select_n3A_105 : vector<16xf32>
      %select_n3A_112 = arith.select %gt3A_111, %select_n3A_110, %select_n3A_105 : vector<16xi1>, vector<16xf32>
      %select_n3A_113 = arith.select %gt3A_111, %broadcast_in_dim3A_108, %select_n3A_106 : vector<16xi1>, vector<16xi32>
      %broadcast_in_dim3A_114 = arith.constant 4 : i32
      %broadcast_in_dim3A_115 = vector.broadcast %broadcast_in_dim3A_114 : i32 to vector<16xi32>
      %eq3A_116 = arith.cmpi eq, %select_n3A_82, %broadcast_in_dim3A_115 : vector<16xi32>
      %select_n3A_117 = arith.select %eq3A_116, %broadcast_in_dim3A_84, %get3A_33 : vector<16xi1>, vector<16xf32>
      %gt3A_118 = arith.cmpf ogt, %select_n3A_117, %select_n3A_112 : vector<16xf32>
      %select_n3A_119 = arith.select %gt3A_118, %select_n3A_117, %select_n3A_112 : vector<16xi1>, vector<16xf32>
      %select_n3A_120 = arith.select %gt3A_118, %broadcast_in_dim3A_115, %select_n3A_113 : vector<16xi1>, vector<16xi32>
      %broadcast_in_dim3A_121 = arith.constant 5 : i32
      %broadcast_in_dim3A_122 = vector.broadcast %broadcast_in_dim3A_121 : i32 to vector<16xi32>
      %eq3A_123 = arith.cmpi eq, %select_n3A_82, %broadcast_in_dim3A_122 : vector<16xi32>
      %select_n3A_124 = arith.select %eq3A_123, %broadcast_in_dim3A_84, %get3A_38 : vector<16xi1>, vector<16xf32>
      %gt3A_125 = arith.cmpf ogt, %select_n3A_124, %select_n3A_119 : vector<16xf32>
      %select_n3A_126 = arith.select %gt3A_125, %select_n3A_124, %select_n3A_119 : vector<16xi1>, vector<16xf32>
      %select_n3A_127 = arith.select %gt3A_125, %broadcast_in_dim3A_122, %select_n3A_120 : vector<16xi1>, vector<16xi32>
      %broadcast_in_dim3A_128 = arith.constant 6 : i32
      %broadcast_in_dim3A_129 = vector.broadcast %broadcast_in_dim3A_128 : i32 to vector<16xi32>
      %eq3A_130 = arith.cmpi eq, %select_n3A_82, %broadcast_in_dim3A_129 : vector<16xi32>
      %select_n3A_131 = arith.select %eq3A_130, %broadcast_in_dim3A_84, %get3A_43 : vector<16xi1>, vector<16xf32>
      %gt3A_132 = arith.cmpf ogt, %select_n3A_131, %select_n3A_126 : vector<16xf32>
      %select_n3A_133 = arith.select %gt3A_132, %select_n3A_131, %select_n3A_126 : vector<16xi1>, vector<16xf32>
      %select_n3A_134 = arith.select %gt3A_132, %broadcast_in_dim3A_129, %select_n3A_127 : vector<16xi1>, vector<16xi32>
      %broadcast_in_dim3A_135 = arith.constant 7 : i32
      %broadcast_in_dim3A_136 = vector.broadcast %broadcast_in_dim3A_135 : i32 to vector<16xi32>
      %eq3A_137 = arith.cmpi eq, %select_n3A_82, %broadcast_in_dim3A_136 : vector<16xi32>
      %select_n3A_138 = arith.select %eq3A_137, %broadcast_in_dim3A_84, %get3A_48 : vector<16xi1>, vector<16xf32>
      %gt3A_139 = arith.cmpf ogt, %select_n3A_138, %select_n3A_133 : vector<16xf32>
      %select_n3A_140 = arith.select %gt3A_139, %select_n3A_138, %select_n3A_133 : vector<16xi1>, vector<16xf32>
      %select_n3A_141 = arith.select %gt3A_139, %broadcast_in_dim3A_136, %select_n3A_134 : vector<16xi1>, vector<16xi32>
      %sub3A = arith.subf %select_n3A_140, %select_n3A_79 : vector<16xf32>
      %exp3A = math.exp %sub3A : vector<16xf32>
      %add3A_142 = arith.constant 1.000000e+00 : f32
      %add3A_143 = vector.broadcast %add3A_142 : f32 to vector<16xf32>
      %add3A_144 = arith.addf %add3A_143, %exp3A : vector<16xf32>
      %div3A = arith.constant 1.000000e+00 : f32
      %div3A_145 = vector.broadcast %div3A : f32 to vector<16xf32>
      %div3A_146 = arith.divf %div3A_145, %add3A_144 : vector<16xf32>
      %sub3A_147 = arith.constant 1.000000e+00 : f32
      %sub3A_148 = vector.broadcast %sub3A_147 : f32 to vector<16xf32>
      %sub3A_149 = arith.subf %sub3A_148, %div3A_146 : vector<16xf32>
      %swap3A = arith.constant 0 : i32
      %swap3A_150 = arith.index_cast %swap3A : i32 to index
      %swap3A_151 = arith.index_cast %mul3A_9 : i32 to index
      %swap3A_152 = tpu.vector_load %arg6[%swap3A_150, %swap3A_151] {strides = array<i32>} : memref<2x1024xi32, #tpu.memory_space<vmem>>, vector<1x16xi32>,
      %swap3A_153 = vector.shape_cast %swap3A_152 : vector<1x16xi32> to vector<16xi32>
      %swap3A_154 = vector.shape_cast %select_n3A_82 : vector<16xi32> to vector<1x16xi32>
      tpu.vector_store %arg6[%swap3A_150, %swap3A_151], %swap3A_154 {strides = array<i32>} : memref<2x1024xi32, #tpu.memory_space<vmem>>, vector<1x16xi32>,
      %swap3A_155 = arith.constant 1 : i32
      %swap3A_156 = arith.index_cast %swap3A_155 : i32 to index
      %swap3A_157 = arith.index_cast %mul3A_9 : i32 to index
      %swap3A_158 = tpu.vector_load %arg6[%swap3A_156, %swap3A_157] {strides = array<i32>} : memref<2x1024xi32, #tpu.memory_space<vmem>>, vector<1x16xi32>,
      %swap3A_159 = vector.shape_cast %swap3A_158 : vector<1x16xi32> to vector<16xi32>
      %swap3A_160 = vector.shape_cast %select_n3A_141 : vector<16xi32> to vector<1x16xi32>
      tpu.vector_store %arg6[%swap3A_156, %swap3A_157], %swap3A_160 {strides = array<i32>} : memref<2x1024xi32, #tpu.memory_space<vmem>>, vector<1x16xi32>,
      %swap3A_161 = arith.constant 0 : i32
      %swap3A_162 = arith.index_cast %swap3A_161 : i32 to index
      %swap3A_163 = arith.index_cast %mul3A_9 : i32 to index
      %swap3A_164 = tpu.vector_load %arg7[%swap3A_162, %swap3A_163] {strides = array<i32>} : memref<2x1024xf32, #tpu.memory_space<vmem>>, vector<1x16xf32>,
      %swap3A_165 = vector.shape_cast %swap3A_164 : vector<1x16xf32> to vector<16xf32>
      %swap3A_166 = vector.shape_cast %div3A_146 : vector<16xf32> to vector<1x16xf32>
      tpu.vector_store %arg7[%swap3A_162, %swap3A_163], %swap3A_166 {strides = array<i32>} : memref<2x1024xf32, #tpu.memory_space<vmem>>, vector<1x16xf32>,
      %swap3A_167 = arith.constant 1 : i32
      %swap3A_168 = arith.index_cast %swap3A_167 : i32 to index
      %swap3A_169 = arith.index_cast %mul3A_9 : i32 to index
      %swap3A_170 = tpu.vector_load %arg7[%swap3A_168, %swap3A_169] {strides = array<i32>} : memref<2x1024xf32, #tpu.memory_space<vmem>>, vector<1x16xf32>,
      %swap3A_171 = vector.shape_cast %swap3A_170 : vector<1x16xf32> to vector<16xf32>
      %swap3A_172 = vector.shape_cast %sub3A_149 : vector<16xf32> to vector<1x16xf32>
      tpu.vector_store %arg7[%swap3A_168, %swap3A_169], %swap3A_172 {strides = array<i32>} : memref<2x1024xf32, #tpu.memory_space<vmem>>, vector<1x16xf32>,
    }
    %scan3A_6 = arith.constant 64 : i32
    "tpu.region"() ({
      %run_scoped3A = tpu.sem_alloc : memref<!tpu.dma_semaphore, #tpu.memory_space<semaphore_mem>>
      %dma_start3A = arith.constant 0 : i32
      %dma_start3A_7 = tpu.memref_slice %arg3[%dma_start3A, %mul3A_2] : memref<2x32768xi32, #tpu.memory_space<hbm>> -> memref<2x1024xi32, #tpu.memory_space<hbm>>
      %dma_start3A_8 = arith.constant 0 : i32
      %dma_start3A_9 = tpu.memref_slice %arg3[%dma_start3A_8, %mul3A_2] : memref<2x32768xi32, #tpu.memory_space<hbm>> -> memref<2x1024xi32, #tpu.memory_space<hbm>>
      tpu.enqueue_dma source(%arg6 : memref<2x1024xi32, #tpu.memory_space<vmem>>) target(%dma_start3A_9 : memref<2x1024xi32, #tpu.memory_space<hbm>>) target_semaphore(%run_scoped3A : memref<!tpu.dma_semaphore, #tpu.memory_space<semaphore_mem>>)
      %dma_wait3A = arith.constant 0 : i32
      %dma_wait3A_10 = tpu.memref_slice %arg3[%dma_wait3A, %mul3A_2] : memref<2x32768xi32, #tpu.memory_space<hbm>> -> memref<2x1024xi32, #tpu.memory_space<hbm>>
      %dma_wait3A_11 = arith.constant 0 : i32
      %dma_wait3A_12 = tpu.memref_slice %arg3[%dma_wait3A_11, %mul3A_2] : memref<2x32768xi32, #tpu.memory_space<hbm>> -> memref<2x1024xi32, #tpu.memory_space<hbm>>
      tpu.wait_dma2 semaphore(%run_scoped3A : memref<!tpu.dma_semaphore, #tpu.memory_space<semaphore_mem>>) src(%arg6 : memref<2x1024xi32, #tpu.memory_space<vmem>>) dst(%dma_wait3A_12 : memref<2x1024xi32, #tpu.memory_space<hbm>>)
      tpu.yield
    }) : () -> ()
    "tpu.region"() ({
      %run_scoped3A = tpu.sem_alloc : memref<!tpu.dma_semaphore, #tpu.memory_space<semaphore_mem>>
      %dma_start3A = arith.constant 0 : i32
      %dma_start3A_7 = tpu.memref_slice %arg4[%dma_start3A, %mul3A_2] : memref<2x32768xf32, #tpu.memory_space<hbm>> -> memref<2x1024xf32, #tpu.memory_space<hbm>>
      %dma_start3A_8 = arith.constant 0 : i32
      %dma_start3A_9 = tpu.memref_slice %arg4[%dma_start3A_8, %mul3A_2] : memref<2x32768xf32, #tpu.memory_space<hbm>> -> memref<2x1024xf32, #tpu.memory_space<hbm>>
      tpu.enqueue_dma source(%arg7 : memref<2x1024xf32, #tpu.memory_space<vmem>>) target(%dma_start3A_9 : memref<2x1024xf32, #tpu.memory_space<hbm>>) target_semaphore(%run_scoped3A : memref<!tpu.dma_semaphore, #tpu.memory_space<semaphore_mem>>)
      %dma_wait3A = arith.constant 0 : i32
      %dma_wait3A_10 = tpu.memref_slice %arg4[%dma_wait3A, %mul3A_2] : memref<2x32768xf32, #tpu.memory_space<hbm>> -> memref<2x1024xf32, #tpu.memory_space<hbm>>
      %dma_wait3A_11 = arith.constant 0 : i32
      %dma_wait3A_12 = tpu.memref_slice %arg4[%dma_wait3A_11, %mul3A_2] : memref<2x32768xf32, #tpu.memory_space<hbm>> -> memref<2x1024xf32, #tpu.memory_space<hbm>>
      tpu.wait_dma2 semaphore(%run_scoped3A : memref<!tpu.dma_semaphore, #tpu.memory_space<semaphore_mem>>) src(%arg7 : memref<2x1024xf32, #tpu.memory_space<vmem>>) dst(%dma_wait3A_12 : memref<2x1024xf32, #tpu.memory_space<hbm>>)
      tpu.yield
    }) : () -> ()
    return
  }
}

module attributes {stable_mosaic.version = 14 : i64} {
  func.func @_logits_kernel(%arg0: i32, %arg1: memref<4096x768xf32, #tpu.memory_space<vmem>>, %arg2: memref<8x768xf32, #tpu.memory_space<vmem>>, %arg3: memref<8x4096xf32, #tpu.memory_space<vmem>>) attributes {dimension_semantics = [#tpu.dimension_semantics<arbitrary>], iteration_bounds = array<i64: 8>, scalar_prefetch = 0 : i64, scratch_operands = 0 : i64, tpu.core_type = #tpu.core_type<tc>, window_params = [{transform_indices = @transform_0, window_bounds = array<i64: 4096, 768>}, {pipeline_mode = #tpu.pipeline_mode<synchronous>, transform_indices = @transform_1, window_bounds = array<i64: 8, 768>}, {transform_indices = @transform_2, window_bounds = array<i64: 8, 4096>}]} {
    %get3A = arith.constant 0 : index
    %get3A_0 = arith.constant 0 : index
    %get3A_1 = vector.load %arg1[%get3A, %get3A_0] : memref<4096x768xf32, #tpu.memory_space<vmem>>, vector<4096x768xf32>
    %get3A_2 = arith.constant 0 : index
    %get3A_3 = arith.constant 0 : index
    %get3A_4 = vector.load %arg2[%get3A_2, %get3A_3] : memref<8x768xf32, #tpu.memory_space<vmem>>, vector<8x768xf32>
    %dot_general3A = arith.constant dense<0.000000e+00> : vector<4096x8xf32>
    %dot_general3A_5 = tpu.matmul %get3A_1, %get3A_4, %dot_general3A {dimension_numbers = #tpu.dot_dimension_numbers<[1], [1], [0], [0], [0, 0, 1, 0], [], []>, transpose_lhs_hint = false} : vector<4096x768xf32>, vector<8x768xf32>, vector<4096x8xf32> -> vector<4096x8xf32>
    %transpose3A = tpu.transpose %dot_general3A_5, [1, 0] : vector<4096x8xf32> -> vector<8x4096xf32>
    %swap3A = arith.constant 0 : index
    %swap3A_6 = arith.constant 0 : index
    %swap3A_7 = vector.load %arg3[%swap3A, %swap3A_6] : memref<8x4096xf32, #tpu.memory_space<vmem>>, vector<8x4096xf32>
    tpu.vector_store %arg3[%swap3A, %swap3A_6], %transpose3A {strides = array<i32>} : memref<8x4096xf32, #tpu.memory_space<vmem>>, vector<8x4096xf32>,
    return
  }
  func.func @transform_0(%arg0: i32) -> (i32, i32) {
    %c0_i32 = arith.constant 0 : i32
    %c0_i32_0 = arith.constant 0 : i32
    return %arg0, %c0_i32 : i32, i32
  }
  func.func @transform_1(%arg0: i32) -> (i32, i32) {
    %c0_i32 = arith.constant 0 : i32
    %c0_i32_0 = arith.constant 0 : i32
    %c0_i32_1 = arith.constant 0 : i32
    return %c0_i32, %c0_i32_0 : i32, i32
  }
  func.func @transform_2(%arg0: i32) -> (i32, i32) {
    %c0_i32 = arith.constant 0 : i32
    %c0_i32_0 = arith.constant 0 : i32
    return %c0_i32, %arg0 : i32, i32
  }
}

</mosaic_0001>

<sc_bundles>
// kernel: kernel.4.cloned.1.call-start
scs
__scs_entry_jumppad:
0x0: {  	(pc) =	sbr.rel $0x88, $3  }
0x1: {  	(tag) =	ssettag $0x0;
	lr =	simm.s32 $0x1  }
0x2: {  	[smem:$0x3F9F] =	sst lr;
	_ =	strace $0xD0000000  }
0x3: {  	_ = 	snop  }
0x4: {  	_ = 	snop  }
0x5: {  	_ = 	snop  }
0x6: {  	_ = 	snop  }
0x7: {  	_ = 	snop  }
__scs_overlays_trampoline_lowered:
0x8: {  	[smem:$0x3FAE] =	sst s0  }
0x9: {  	[smem:$0x3FAF] =	sst s1  }
0xa: {  	[smem:$0x3FB0] =	sst s2  }
0xb: {  	[smem:$0x3FB1] =	sst s3  }
0xc: {  	[smem:$0x3FB2] =	sst s4  }
0xd: {  	[smem:$0x3FB3] =	sst s5  }
0xe: {  	[smem:$0x3FB4] =	sst s6  }
0xf: {  	[smem:$0x3FB5] =	sst s7  }
0x10: {  	[smem:$0x3FB6] =	sst s8  }
0x11: {  	[smem:$0x3FB7] =	sst s9;
	s0 =	simm.s32 @!p0 $0x0  }
0x12: {  	s1 =	sld [smem:$0x3F9D];
	s0 =	simm.s32 @p0 $0x1  }
0x13: {  	[smem:$0x3FB8] =	sst s0;
	s0 =	simm.s32 @!p1 $0x0  }
0x14: {  	s2 =	sld [smem:$0x3F9C];
	s0 =	simm.s32 @p1 $0x1  }
0x15: {  	[smem:$0x3FB9] =	sst s0;
	s0 =	simm.s32 @!p2 $0x0  }
0x16: {  	s3 =	sld [smem:$0x3FDB];
	s0 =	simm.s32 @p2 $0x1  }
0x17: {  	s4 =	simm.s32 $0x1BF5;
	[smem:$0x3FBB] =	sst s0  }
0x18: {  	s0 =	sld [smem:$0x3F9E];
	_ =	swait.ge [sflag:s4], $0x0  }
0x19: {  	s7 =	sld [smem:$0x3F9F]  }
0x1a: {  	s8 =	sadd.s32 $0xFFFFE003, lr  }
0x1b: {  	s9 =	sadd.s32 $0xFFFFFEF7, lr;
	s5 =	simm.s32 $0xFFFFFFFF;
	p2 =	slt.u32 s8, $0xFFFFF086  }
0x1c: {  	p1 =	slt.u32 s9, $0xF7A;
	s5 =	simm.s32 @!p2 $0x0  }
0x1d: {  	s5 =	simm.s32 @p1 $0x1;
	p0 =	seq.s32 s7, s2  }
0x1e: {  	s7 =	smul.u32 @!p0 $0xF7A, s2;
	p2 =	seq.s32 @!p0 s5, $0x0  }
0x1f: {  	s9 =	smul.u32 $0xF7A, s1;
	s8 =	simm.s32 @!p0 $0x1BF5;
	p2 =	por !p2, p0  }
0x20: {  	[sflag:s8] =	ssyncset.s32 @!p0 $0xFFFFF086;
	s6 =	sadd.s32 @!p0 s3, s7;
	s7 =	simm.s32 @!p0 $0x108  }
0x21: {  	s3 =	sadd.s32 s3, s9;
	s6 =	sadd.s32 @!p0 $0x88, s6;
	s7 =	simm.s32 @p2 $0x1082  }
0x22: {  	[simem:s7], [sflag:s8] =	dma.local @!p0 [hbm:s6], $0xF7A  }
0x23: {  	s9 =	sor.u32 $0xD0000000, s2;
	s6 =	simm.s32 $0x108;
	_ =	swait.ge @!p0 [sflag:s8], $0x0  }
0x24: {  	s3 =	sadd.s32 $0x88, s3;
	s6 =	simm.s32 @!p1 $0x1082;
	[sflag:s4] =	ssyncset.s32 $0xFFFFF086  }
0x25: {  	[simem:s6], [sflag:s4] =	dma.local [hbm:s3], $0xF7A  }
0x26: {  	[smem:$0x3F9F] =	sst s1;
	(tag) =	ssettag s2;
	_ =	strace s9  }
0x27: {  	s1 =	sld [smem:$0x3FAF]  }
0x28: {  	s2 =	sld [smem:$0x3FB0]  }
0x29: {  	s4 =	sld [smem:$0x3FB2]  }
0x2a: {  	p0 =	seq.s32 s5, $0x0;
	s5 =	sld [smem:$0x3FB3]  }
0x2b: {  	s6 =	sld [smem:$0x3FB4]  }
0x2c: {  	s7 =	sld [smem:$0x3FB5]  }
0x2d: {  	s3 =	simm.s32 $0x108;
	s8 =	sld [smem:$0x3FB6]  }
0x2e: {  	s3 =	simm.s32 @!p0 $0x1082;
	s9 =	sld [smem:$0x3FB7]  }
0x2f: {  	lr =	sadd.s32 s0, s3;
	s0 =	sld [smem:$0x3FAE]  }
0x30: {  	s3 =	sld [smem:$0x3FB1]  }
0x31: {  	[smem:$0x3FBA] =	sst s10  }
0x32: {  	s10 =	sld [smem:$0x3FB8];
	_ =	sdelay $0x3  }
0x33: {  	p0 =	seq.s32 s10, $0x1;
	s10 =	sld [smem:$0x3FBA];
	_ =	sdelay $0x3  }
0x34: {  	[smem:$0x3FBA] =	sst s10  }
0x35: {  	s10 =	sld [smem:$0x3FB9];
	_ =	sdelay $0x3  }
0x36: {  	p1 =	seq.s32 s10, $0x1;
	s10 =	sld [smem:$0x3FBA];
	_ =	sdelay $0x3  }
0x37: {  	[smem:$0x3FBA] =	sst s10  }
0x38: {  	s10 =	sld [smem:$0x3FBB]  }
0x39: {  	_ = 	snop;
	(pc) =	sbr.ind lr, $3  }
0x3a: {  	_ = 	snop  }
0x3b: {  	_ = 	snop  }
0x3c: {  	p2 =	seq.s32 s10, $0x1;
	s10 =	sld [smem:$0x3FBA]  }
0x3d: {  	_ =	shalt  }
0x3e: {  	_ =	shalt  }
0x3f: {  	_ =	shalt  }
0x40: {  	_ =	shalt  }
0x41: {  	_ =	shalt  }
0x42: {  	_ =	shalt  }
0x43: {  	_ =	shalt  }
0x44: {  	_ =	shalt  }
0x45: {  	_ =	shalt  }
0x46: {  	_ =	shalt  }
0x47: {  	_ =	shalt  }
0x48: {  	_ =	shalt  }
0x49: {  	_ =	shalt  }
0x4a: {  	_ =	shalt  }
0x4b: {  	_ =	shalt  }
0x4c: {  	_ =	shalt  }
0x4d: {  	_ =	shalt  }
0x4e: {  	_ =	shalt  }
0x4f: {  	_ =	shalt  }
0x50: {  	_ =	shalt  }
0x51: {  	_ =	shalt  }
0x52: {  	_ =	shalt  }
0x53: {  	_ =	shalt  }
0x54: {  	_ =	shalt  }
0x55: {  	_ =	shalt  }
0x56: {  	_ =	shalt  }
0x57: {  	_ =	shalt  }
0x58: {  	_ =	shalt  }
0x59: {  	_ =	shalt  }
0x5a: {  	_ =	shalt  }
0x5b: {  	_ =	shalt  }
0x5c: {  	_ =	shalt  }
0x5d: {  	_ =	shalt  }
0x5e: {  	_ =	shalt  }
0x5f: {  	_ =	shalt  }
0x60: {  	_ =	shalt  }
0x61: {  	_ =	shalt  }
0x62: {  	_ =	shalt  }
0x63: {  	_ =	shalt  }
0x64: {  	_ =	shalt  }
0x65: {  	_ =	shalt  }
0x66: {  	_ =	shalt  }
0x67: {  	_ =	shalt  }
0x68: {  	_ =	shalt  }
0x69: {  	_ =	shalt  }
0x6a: {  	_ =	shalt  }
0x6b: {  	_ =	shalt  }
0x6c: {  	_ =	shalt  }
0x6d: {  	_ =	shalt  }
0x6e: {  	_ =	shalt  }
0x6f: {  	_ =	shalt  }
0x70: {  	_ =	shalt  }
0x71: {  	_ =	shalt  }
0x72: {  	_ =	shalt  }
0x73: {  	_ =	shalt  }
0x74: {  	_ =	shalt  }
0x75: {  	_ =	shalt  }
0x76: {  	_ =	shalt  }
0x77: {  	_ =	shalt  }
0x78: {  	_ =	shalt  }
0x79: {  	_ =	shalt  }
0x7a: {  	_ =	shalt  }
0x7b: {  	_ =	shalt  }
0x7c: {  	_ =	shalt  }
0x7d: {  	_ =	shalt  }
0x7e: {  	_ =	shalt  }
0x7f: {  	_ =	shalt  }
0x80: {  	_ =	shalt  }
0x81: {  	_ =	shalt  }
0x82: {  	_ =	shalt  }
0x83: {  	_ =	shalt  }
0x84: {  	_ =	shalt  }
0x85: {  	_ =	shalt  }
0x86: {  	_ =	shalt  }
0x87: {  	_ =	shalt  }
.Lfunc_end0:
.L_simem_size_0:
called_computation_lowered:
.L_overlay_start_0:
0x88: {  	s2 =	sld [smem:$0x3FD9]  }
0x89: {  	s3 =	sld [smem:$0x3FFE];
	_ =	sdelay $0x1  }
0x8a: {  	s1 =	srdreg.scid  }
0x8b: {  	s0 =	sand.u32 $0x1, s1  }
0x8c: {  	s15 =	sshll.u32 s0, $0xA;
	s2 =	sadd.s32 s3, s2  }
0x8d: {  	s2 =	sadd.s32 s2, s15  }
0x8e: {  	[smem:$0x3FC6] =	sst s2  }
0x8f: {  	_ = 	snop  }
0x90: {  	s2 =	sld [smem:$0x3FD0];
	_ =	sdelay $0x2  }
0x91: {  	s16 =	simm.s32 $0xA;
	s4 =	simm.s32 $0x10  }
0x92: {  	[smem:s4], [sflag:s16] =	dma.local [hbm:s2], $0x1  }
0x93: {  	_ =	swait.eq [sflag:s16], $0x1  }
0x94: {  	s17 =	sld [smem:$0x10];
	[sflag:s16] =	ssyncset.done $0x0  }
0x95: {  	s18 =	sld [smem:$0x11];
	[sflag:s16] =	ssyncadd.s32 $0xFFFFFFFF  }
0x96: {  	s19 =	sld [smem:$0x12];
	(tm) =	ssettm $0x1  }
0x97: {  	s5 =	sld [smem:$0x3FFB];
	_ =	sdelay $0x3  }
0x98: {  	_ =	strace s5  }
0x99: {  	s5 =	sld [smem:$0x3FFC];
	_ =	sdelay $0x3  }
0x9a: {  	_ =	strace s5  }
0x9b: {  	s5 =	sld [smem:$0x3FFD];
	_ =	sdelay $0x3  }
0x9c: {  	_ =	strace s5  }
0x9d: {  	_ =	strace $0x8FFFFFFF  }
0x9e: {  	s20 =	sld [smem:$0x3FDB];
	_ =	sdelay $0x1  }
0x9f: {  	s6 =	simm.s32 $_scs_section_size  }
0xa0: {  	s7 =	simm.s32 $_size__tile_overlayer_lowered;
	s8 =	simm.s32 $_tile_overlayer_lowered  }
0xa1: {  	s23 =	simm.s32 $0x1BFF;
	s22 =	sshll.u32 s8, $0x1;
	s5 =	sadd.s32 s6, s20  }
0xa2: {  	s9 =	simm.s32 $0x0;
	s21 =	sshll.u32 s7, $0x1;
	s7 =	sadd.s32 s22, s5  }
0xa3: {  	[timem:s9], [sflag:s23] =	dma.local [hbm:s7], s21  }
0xa4: {  	_ =	swait.ge [sflag:s23], s21  }
0xa5: {  	s6 =	ssub.s32 $0x0, s21;
	[sflag:s23] =	ssyncset.done $0x0  }
0xa6: {  	[sflag:s23] =	ssyncadd.s32 s6;
	_ =	sdelay $0x1  }
0xa7: {  	s24 =	simm.s32 $0x1B8B  }
0xa8: {  	_ =	swait.ge [sflag:s24], $0x1  }
0xa9: {  	[sflag:s24] =	ssyncset.done $0x0  }
0xaa: {  	s25 =	simm.s32 $0x1B8E;
	[sflag:s24] =	ssyncadd.s32 $0xFFFFFFFF  }
0xab: {  	s26 =	simm.s32 $execute0_lowered;
	[smem:$0x3FD2] =	sst s25  }
0xac: {  	s6 =	sshll.u32 s26, $0x1;
	_ =	strace $0x80000046;
	[dreg:$0x1] =	wrdreg $0xFFFFFFFF  }
0xad: {  	s28 =	simm.s32 $_size_execute0_lowered;
	s5 =	sadd.s32 s5, s6;
	[dreg:$0x0] =	wrdreg $0x0  }
0xae: {  	s6 =	sshll.u32 s28, $0x1;
	[dreg:$0x2] =	wrdreg s5  }
0xaf: {  	[dreg:$0x3] =	wrdreg s6  }
0xb0: {  	[dreg:$0x4] =	wrdreg $0xC0  }
0xb1: {  	_ =	task [dreg:s9], $0x5FFFF  }
0xb2: {  	[dreg:$0x1] =	wrdreg $0xFFFFFFFF  }
0xb3: {  	[dreg:$0x0] =	wrdreg $0x60  }
0xb4: {  	[dreg:$0x2] =	wrdreg s19  }
0xb5: {  	[dreg:$0x3] =	wrdreg s17  }
0xb6: {  	[dreg:$0x4] =	wrdreg s18  }
0xb7: {  	[dreg:$0x5] =	wrdreg $0x9  }
0xb8: {  	_ =	task.clear_ibuf [dreg:s9], $0x6FFFF;
	_ =	strace $0x90000046  }
0xb9: {  	s29 =	simm.s32 $0x9;
	_ =	strace $0x80000048  }
0xba: {  	_ =	swait.ge [sflag:s29], $0x1  }
0xbb: {  	[sflag:s29] =	ssyncadd.s32 $0xFFFFFFFF  }
0xbc: {  	_ =	strace $0x90000048  }
0xbd: {  	_ =	sfence  }
0xbe: {  	s30 =	sld [smem:$0x0];
	_ =	sdelay $0x2  }
0xbf: {  	s31 =	sshll.u32 s1, $0xD;
	s1 =	sshrl.u32 s1, $0x2  }
0xc0: {  	s3 =	sand.u32 $0x4000, s31;
	s1 =	sadd.s32 s1, s30  }
0xc1: {  	s0 =	sor.u32 s3, s0;
	s1 =	sshll.u32 s1, $0x11  }
0xc2: {  	s0 =	sor.u32 s1, s0  }
0xc3: {  	s0 =	sadd.s32 $0x8F2B, s0  }
0xc4: {  	[sflag:s0] =	ssyncadd.remote.s32 $0x1  }
0xc5: {  	_ =	sfence.sel $0xFFFF  }
0xc6: {  	[dreg:$0x0] =	wrdreg $0xFFFFFFFF;
	(pc) =	sbr.abs _section_cstart, $3  }
0xc7: {  	[dreg:$0x1] =	wrdreg $0xFFFFFFFF  }
0xc8: {  	_ =	task.clear_ibuf [dreg:s9], $0x2FFFF;
	_ =	strace $0x9FFFFFFF  }
0xc9: {  	(tm) =	ssettm $0x7FFFFFFF  }
tec
execute0_lowered:
.L_overlay_start_1:
0x0: {  	(tag) =	ssettag $0x1  }
0x1: {  	s3 =	rddreg [dreg:$0x0]  }
0x2: {  	s4 =	rddreg [dreg:$0x1]  }
0x3: {  	s5 =	rddreg [dreg:$0x2];
	s2 =	srdreg.scid  }
0x4: {  	s0 =	rddreg [dreg:$0x3];
	s1 =	stileid.u32;
	s10 =	simm.s32 $0x0  }
0x5: {  	s6 =	sand.u32 $0x1, s2;
	s2 =	simm.s32 $0x0;
	s7 =	sshll.u32 s1, $0xB  }
0x6: {  	s8 =	sshll.u32 s6, $0xA;
	[smem:$0x7FF] =	sst s2;
	s6 =	ssub.s32 $0x2, s6  }
0x7: {  	s7 =	sor.u32 s8, s7;
	_ =	strace $0x80000047;
	s31 =	sshrl.u32 s6, $0x1  }
0x8: {  	s8 =	simm.s32 $0x2000;
	s9 =	sshrl.u32 s7, $0x2;
	s6 =	ssub.s32 s6, s31  }
0x9: {  	s3 =	sadd.s32 s3, s7;
	s7 =	simm.s32 $0x1;
	s4 =	sadd.s32 s4, s9  }
0xa: {  	v0 =	vimm.s32 $0x0;
	s5 =	sadd.s32 s5, s9;
	s6 =	smax.u32 s6, $0x1;
	s9 =	simm.s32 $0x2800  }
.LBB2_1:
0xb: {  	[tilespmem:s2], [sflag:$0x1] =	stream.linear.gather [hbm4b:s3+s2], $0x2000, $0x38;
	[tilespmem:$0x3000] =	vst v63  }
0xc: {  	s12 =	simm.s32 $0x0;
	_ =	swait.ge [sflag:s7], $0x2000  }
0xd: {  	s11 =	sand.u32 $0x70, s2;
	s12 =	sand.u32 $0x3FFFFC00, s12;
	[sflag:s7] =	ssyncset.done $0x0  }
0xe: {  	s12 =	sor.u32 s11, s12;
	[sflag:s7] =	ssyncadd.s32 $0xFFFFE000  }
0xf: {  	v1 =	vld [tilespmem:s12+$0x0]  }
0x10: {  	v2 =	vld [tilespmem:s12+$0x80];
	_ =	sdelay $0x1  }
0x11: {  	v3 =	vld [tilespmem:s12+$0x100];
	_ =	sdelay $0x1  }
0x12: {  	v4 =	vld [tilespmem:s12+$0x180]  }
0x13: {  	vm0 =	vgt.f32 v2, v1  }
0x14: {  	v5 =	vld [tilespmem:s12+$0x200];
	v6 =	vsel vm0, v2, v1  }
0x15: {  	vm1 =	vgt.f32 v3, v6  }
0x16: {  	v7 =	vld [tilespmem:s12+$0x280];
	v6 =	vsel vm1, v3, v6  }
0x17: {  	vm2 =	vgt.f32 v4, v6  }
0x18: {  	v8 =	vld [tilespmem:s12+$0x300];
	v6 =	vsel vm2, v4, v6  }
0x19: {  	vm3 =	vgt.f32 v5, v6  }
0x1a: {  	v9 =	vld [tilespmem:s12+$0x380];
	v6 =	vsel vm3, v5, v6  }
0x1b: {  	v10 =	vsel vm0, $0x1, v0;
	vm7 =	vgt.f32 v7, v6  }
0x1c: {  	v10 =	vsel vm1, $0x2, v10;
	v6 =	vsel vm7, v7, v6  }
0x1d: {  	v10 =	vsel vm2, $0x3, v10;
	vm1 =	vgt.f32 v8, v6  }
0x1e: {  	v10 =	vsel vm3, $0x4, v10;
	v6 =	vsel vm1, v8, v6  }
0x1f: {  	v10 =	vsel vm7, $0x5, v10;
	vm8 =	vgt.f32 v9, v6  }
0x20: {  	v10 =	vsel vm1, $0x6, v10;
	vm0 =	vmneg vm8  }
0x21: {  	v10 =	vnsel vm0, $0x7, v10  }
0x22: {  	vm9 =	veq.s32 v10, $0x0  }
0x23: {  	v1 =	vsel vm9, $0xFF800000, v1  }
0x24: {  	vm10 =	veq.s32 v10, $0x1;
	vm11 =	vgt.f32 v1, $-Inf  }
0x25: {  	v2 =	vsel vm10, $0xFF800000, v2;
	v1 =	vnsel vm11, $0xFF800000, v1  }
0x26: {  	vm12 =	veq.s32 v10, $0x2;
	vm3 =	vgt.f32 v2, v1  }
0x27: {  	v3 =	vsel vm12, $0xFF800000, v3;
	v1 =	vsel vm3, v2, v1  }
0x28: {  	vm13 =	veq.s32 v10, $0x3;
	vm4 =	vgt.f32 v3, v1  }
0x29: {  	v2 =	vsel vm13, $0xFF800000, v4;
	v1 =	vsel vm4, v3, v1  }
0x2a: {  	vm14 =	veq.s32 v10, $0x4;
	vm5 =	vgt.f32 v2, v1  }
0x2b: {  	v3 =	vsel vm14, $0xFF800000, v5;
	v1 =	vsel vm5, v2, v1  }
0x2c: {  	vm15 =	veq.s32 v10, $0x5;
	vm6 =	vgt.f32 v3, v1  }
0x2d: {  	v2 =	vsel vm15, $0xFF800000, v7;
	v1 =	vsel vm6, v3, v1  }
0x2e: {  	vm1 =	vmand vm1, vm0;
	vm2 =	vgt.f32 v2, v1  }
0x2f: {  	v3 =	vsel vm1, $0xFF800000, v8;
	v1 =	vsel vm2, v2, v1  }
0x30: {  	vm1 =	vgt.f32 v3, v1  }
0x31: {  	v2 =	vnsel vm0, $0xFF800000, v9;
	v1 =	vsel vm1, v3, v1  }
0x32: {  	vm7 =	vgt.f32 v2, v1  }
0x33: {  	v3 =	vsel vm0, v6, v9;
	v1 =	vsel vm7, v2, v1  }
0x34: {  	v1 =	vsub.f32 v1, v3;
	_ =	sdelay $0x1  }
0x35: {  	v1 =	vmul.f32 $1.442695020e+00, v1;
	_ =	sdelay $0x1  }
0x36: {  	(erf) = vpow2.f32 v1;
	_ =	sdelay $0x8  }
0x37: {  	v1 =	vpop (erf)  }
0x38: {  	v1 =	vadd.f32 $1.000000000e+00, v1;
	_ =	sdelay $0x1  }
0x39: {  	(erf) = vrcp.f32 v1;
	_ =	sdelay $0x1  }
0x3a: {  	v1 =	vsel vm3, $0x1, v0  }
0x3b: {  	v1 =	vsel vm4, $0x2, v1  }
0x3c: {  	v1 =	vsel vm5, $0x3, v1  }
0x3d: {  	s30 =	simm.s32 $0x0;
	v1 =	vsel vm6, $0x4, v1  }
0x3e: {  	s12 =	sand.u32 $0xFFFFFF00, s30;
	v1 =	vsel vm2, $0x5, v1  }
0x3f: {  	s15 =	sor.u32 s11, s12;
	v1 =	vsel vm1, $0x6, v1  }
0x40: {  	[tilespmem:s15+$0x2000] =	vst v10;
	v1 =	vsel vm7, $0x7, v1  }
0x41: {  	s31 =	simm.s32 $0x10;
	s18 =	simm.s32 $0x2;
	s17 =	simm.s32 $0x80;
	[tilespmem:s15+$0x2080] =	vst v1;
	v2 =	vpop (erf)  }
0x42: {  	s13 =	simm.s32 $0x20;
	s12 =	simm.s32 $0x1;
	s11 =	sand.u32 $0x70, s31;
	v1 =	vsub.f32 $1.000000000e+00, v2;
	[tilespmem:s15+$0x2800] =	vst v2  }
.LBB2_2:
0x43: {  	s16 =	sand.u32 $0x70, s13  }
0x44: {  	s17 =	sand.u32 $0x3FFFFC00, s17;
	s19 =	smov.u32 s18;
	s14 =	sadd.s32 $0x1, s18  }
0x45: {  	p0 =	sne.s32 s18, $0x3F;
	s17 =	sor.u32 s11, s17;
	[tilespmem:s15+$0x2880] =	vst v1  }
0x46: {  	v1 =	vld [tilespmem:s17+$0x0]  }
0x47: {  	v2 =	vld [tilespmem:s17+$0x80]  }
0x48: {  	v3 =	vld [tilespmem:s17+$0x100];
	_ =	sdelay $0x1  }
0x49: {  	v4 =	vld [tilespmem:s17+$0x180];
	_ =	sdelay $0x1  }
0x4a: {  	v5 =	vld [tilespmem:s17+$0x200];
	vm0 =	vgt.f32 v2, v1  }
0x4b: {  	v6 =	vsel vm0, v2, v1  }
0x4c: {  	v7 =	vld [tilespmem:s17+$0x280];
	vm1 =	vgt.f32 v3, v6  }
0x4d: {  	v6 =	vsel vm1, v3, v6  }
0x4e: {  	v8 =	vld [tilespmem:s17+$0x300];
	vm2 =	vgt.f32 v4, v6  }
0x4f: {  	v6 =	vsel vm2, v4, v6  }
0x50: {  	v9 =	vld [tilespmem:s17+$0x380];
	vm3 =	vgt.f32 v5, v6  }
0x51: {  	v10 =	vsel vm0, $0x1, v0;
	v6 =	vsel vm3, v5, v6  }
0x52: {  	v10 =	vsel vm1, $0x2, v10;
	vm0 =	vgt.f32 v7, v6  }
0x53: {  	v10 =	vsel vm2, $0x3, v10;
	v6 =	vsel vm0, v7, v6  }
0x54: {  	v10 =	vsel vm3, $0x4, v10;
	vm1 =	vgt.f32 v8, v6  }
0x55: {  	v10 =	vsel vm0, $0x5, v10;
	v6 =	vsel vm1, v8, v6  }
0x56: {  	s15 =	sshll.u32 s12, $0x5;
	s12 =	smov.u32 s19;
	v10 =	vsel vm1, $0x6, v10;
	vm0 =	vgt.f32 v9, v6  }
0x57: {  	s15 =	sand.u32 $0xFFFFFF00, s15;
	vm0 =	vmneg vm0  }
0x58: {  	s15 =	sor.u32 s11, s15;
	s11 =	smov.u32 s16;
	v6 =	vsel vm0, v6, v9;
	v10 =	vnsel vm0, $0x7, v10;
	vm1 =	vmand vm1, vm0  }
0x59: {  	vm2 =	veq.s32 v10, $0x0;
	vm3 =	veq.s32 v10, $0x1;
	vm4 =	veq.s32 v10, $0x2;
	[tilespmem:s15+$0x2000] =	vst v10  }
0x5a: {  	vm5 =	veq.s32 v10, $0x4;
	v1 =	vsel vm2, $0xFF800000, v1;
	vm2 =	veq.s32 v10, $0x3  }
0x5b: {  	v2 =	vsel vm3, $0xFF800000, v2;
	vm3 =	veq.s32 v10, $0x5;
	vm6 =	vgt.f32 v1, $-Inf  }
0x5c: {  	v1 =	vnsel vm6, $0xFF800000, v1  }
0x5d: {  	v3 =	vsel vm4, $0xFF800000, v3;
	vm6 =	vgt.f32 v2, v1  }
0x5e: {  	v1 =	vsel vm6, v2, v1;
	v2 =	vsel vm6, $0x1, v0  }
0x5f: {  	v4 =	vsel vm2, $0xFF800000, v4;
	vm4 =	vgt.f32 v3, v1  }
0x60: {  	v1 =	vsel vm4, v3, v1;
	v2 =	vsel vm4, $0x2, v2  }
0x61: {  	v3 =	vsel vm5, $0xFF800000, v5;
	vm2 =	vgt.f32 v4, v1  }
0x62: {  	v1 =	vsel vm2, v4, v1;
	v2 =	vsel vm2, $0x3, v2  }
0x63: {  	v4 =	vsel vm3, $0xFF800000, v7;
	vm2 =	vgt.f32 v3, v1  }
0x64: {  	v1 =	vsel vm2, v3, v1;
	v2 =	vsel vm2, $0x4, v2  }
0x65: {  	v3 =	vsel vm1, $0xFF800000, v8;
	vm2 =	vgt.f32 v4, v1  }
0x66: {  	v1 =	vsel vm2, v4, v1;
	v2 =	vsel vm2, $0x5, v2  }
0x67: {  	v4 =	vnsel vm0, $0xFF800000, v9;
	vm1 =	vgt.f32 v3, v1  }
0x68: {  	v1 =	vsel vm1, v3, v1  }
0x69: {  	v2 =	vsel vm1, $0x6, v2;
	vm0 =	vgt.f32 v4, v1  }
0x6a: {  	v1 =	vsel vm0, v4, v1;
	v2 =	vsel vm0, $0x7, v2  }
0x6b: {  	v1 =	vsub.f32 v1, v6;
	[tilespmem:s15+$0x2080] =	vst v2;
	_ =	sdelay $0x1  }
0x6c: {  	v1 =	vmul.f32 $1.442695020e+00, v1;
	_ =	sdelay $0x1  }
0x6d: {  	(erf) = vpow2.f32 v1;
	_ =	sdelay $0x8  }
0x6e: {  	v1 =	vpop (erf)  }
0x6f: {  	v1 =	vadd.f32 $1.000000000e+00, v1;
	_ =	sdelay $0x1  }
0x70: {  	(erf) = vrcp.f32 v1;
	_ =	sdelay $0x5  }
.Ltmp0:
0x71: {  	(pc) =	sbr.rel @p0 .LBB2_2-.Ltmp0, $3  }
0x72: {  	_ =	sdelay $0x1  }
0x73: {  	v2 =	vpop (erf)  }
0x74: {  	s13 =	sadd.s32 $0x10, s13;
	s18 =	smov.u32 s14;
	s17 =	sshll.u32 s12, $0x7;
	v1 =	vsub.f32 $1.000000000e+00, v2;
	[tilespmem:s15+$0x2800] =	vst v2  }
0x75: {  	s13 =	sand.u32 $0x3FFFFC00, s17  }
0x76: {  	s13 =	sor.u32 s11, s13;
	[tilespmem:s15+$0x2880] =	vst v1  }
0x77: {  	v1 =	vld [tilespmem:s13+$0x0]  }
0x78: {  	v2 =	vld [tilespmem:s13+$0x80];
	_ =	sdelay $0x1  }
0x79: {  	v3 =	vld [tilespmem:s13+$0x100];
	_ =	sdelay $0x1  }
0x7a: {  	v4 =	vld [tilespmem:s13+$0x180]  }
0x7b: {  	vm0 =	vgt.f32 v2, v1  }
0x7c: {  	v5 =	vld [tilespmem:s13+$0x200];
	v6 =	vsel vm0, v2, v1  }
0x7d: {  	vm1 =	vgt.f32 v3, v6  }
0x7e: {  	v7 =	vld [tilespmem:s13+$0x280];
	v6 =	vsel vm1, v3, v6  }
0x7f: {  	vm2 =	vgt.f32 v4, v6  }
0x80: {  	v8 =	vld [tilespmem:s13+$0x300];
	v6 =	vsel vm2, v4, v6  }
0x81: {  	vm3 =	vgt.f32 v5, v6  }
0x82: {  	v9 =	vld [tilespmem:s13+$0x380];
	v6 =	vsel vm3, v5, v6  }
0x83: {  	v10 =	vsel vm0, $0x1, v0;
	vm7 =	vgt.f32 v7, v6  }
0x84: {  	v10 =	vsel vm1, $0x2, v10;
	v6 =	vsel vm7, v7, v6  }
0x85: {  	v10 =	vsel vm2, $0x3, v10;
	vm1 =	vgt.f32 v8, v6  }
0x86: {  	v10 =	vsel vm3, $0x4, v10;
	v6 =	vsel vm1, v8, v6  }
0x87: {  	v10 =	vsel vm7, $0x5, v10;
	vm8 =	vgt.f32 v9, v6  }
0x88: {  	v10 =	vsel vm1, $0x6, v10;
	vm0 =	vmneg vm8  }
0x89: {  	v10 =	vnsel vm0, $0x7, v10  }
0x8a: {  	vm9 =	veq.s32 v10, $0x0  }
0x8b: {  	v1 =	vsel vm9, $0xFF800000, v1  }
0x8c: {  	vm10 =	veq.s32 v10, $0x1;
	vm11 =	vgt.f32 v1, $-Inf  }
0x8d: {  	v2 =	vsel vm10, $0xFF800000, v2;
	v1 =	vnsel vm11, $0xFF800000, v1  }
0x8e: {  	vm12 =	veq.s32 v10, $0x2;
	vm3 =	vgt.f32 v2, v1  }
0x8f: {  	v3 =	vsel vm12, $0xFF800000, v3;
	v1 =	vsel vm3, v2, v1  }
0x90: {  	vm13 =	veq.s32 v10, $0x3;
	vm4 =	vgt.f32 v3, v1  }
0x91: {  	v2 =	vsel vm13, $0xFF800000, v4;
	v1 =	vsel vm4, v3, v1  }
0x92: {  	vm14 =	veq.s32 v10, $0x4;
	vm5 =	vgt.f32 v2, v1  }
0x93: {  	v3 =	vsel vm14, $0xFF800000, v5;
	v1 =	vsel vm5, v2, v1  }
0x94: {  	vm15 =	veq.s32 v10, $0x5;
	vm6 =	vgt.f32 v3, v1  }
0x95: {  	v2 =	vsel vm15, $0xFF800000, v7;
	v1 =	vsel vm6, v3, v1  }
0x96: {  	vm1 =	vmand vm1, vm0;
	vm2 =	vgt.f32 v2, v1  }
0x97: {  	v3 =	vsel vm1, $0xFF800000, v8;
	v1 =	vsel vm2, v2, v1  }
0x98: {  	vm1 =	vgt.f32 v3, v1  }
0x99: {  	v2 =	vnsel vm0, $0xFF800000, v9;
	v1 =	vsel vm1, v3, v1  }
0x9a: {  	vm7 =	vgt.f32 v2, v1  }
0x9b: {  	v3 =	vsel vm0, v6, v9;
	v1 =	vsel vm7, v2, v1  }
0x9c: {  	v1 =	vsub.f32 v1, v3;
	_ =	sdelay $0x1  }
0x9d: {  	v1 =	vmul.f32 $1.442695020e+00, v1;
	_ =	sdelay $0x1  }
0x9e: {  	(erf) = vpow2.f32 v1;
	_ =	sdelay $0x8  }
0x9f: {  	v1 =	vpop (erf)  }
0xa0: {  	v1 =	vadd.f32 $1.000000000e+00, v1;
	_ =	sdelay $0x1  }
0xa1: {  	(erf) = vrcp.f32 v1;
	_ =	sdelay $0x2  }
0xa2: {  	v1 =	vsel vm3, $0x1, v0  }
0xa3: {  	v1 =	vsel vm4, $0x2, v1  }
0xa4: {  	v1 =	vsel vm5, $0x3, v1  }
0xa5: {  	s12 =	sshll.u32 s12, $0x5;
	v1 =	vsel vm6, $0x4, v1  }
0xa6: {  	s12 =	sand.u32 $0xFFFFFF00, s12;
	v1 =	vsel vm2, $0x5, v1  }
0xa7: {  	s31 =	sor.u32 s11, s12;
	v1 =	vsel vm1, $0x6, v1  }
0xa8: {  	[tilespmem:s31+$0x2000] =	vst v10;
	v1 =	vsel vm7, $0x7, v1;
	v2 =	vpop (erf)  }
0xa9: {  	[tilespmem:s31+$0x2080] =	vst v1;
	v1 =	vsub.f32 $1.000000000e+00, v2  }
0xaa: {  	[tilespmem:s31+$0x2800] =	vst v2  }
0xab: {  	[tilespmem:s31+$0x2880] =	vst v1  }
0xac: {  	[hbm4b:s4+s2] =	stream.linear.scatter [tilespmem:s8], [sflag:$0x1], $0x800, $0x38;
	[tilespmem:$0x3000] =	vst v63  }
0xad: {  	s10 =	sadd.s32 $0x1, s10;
	_ =	swait.ge [sflag:s7], $0x800  }
0xae: {  	p0 =	sne.s32 s10, s6;
	[sflag:s7] =	ssyncset.done $0x0  }
.Ltmp1:
0xaf: {  	[sflag:s7] =	ssyncadd.s32 $0xFFFFF800;
	(pc) =	sbr.rel @p0 .LBB2_1-.Ltmp1, $4  }
0xb0: {  	[hbm4b:s5+s2] =	stream.linear.scatter [tilespmem:s9], [sflag:$0x1], $0x800, $0x38;
	[tilespmem:$0x3000] =	vst v63  }
0xb1: {  	_ =	swait.ge [sflag:s7], $0x800  }
0xb2: {  	[sflag:s7] =	ssyncset.done $0x0  }
0xb3: {  	[sflag:s7] =	ssyncadd.s32 $0xFFFFF800  }
0xb4: {  	_ =	sfence.sel $0x180000  }
0xb5: {  	[bflag:$0x0] =	sbarrier.arrive $0xFFFF  }
0xb6: {  	p0 =	sne.s32 s1, $0x0;
	_ =	strace $0x90000047  }
0xb7: {  	s0 =	sadd.s32 @!p0 $0x100000, s0;
	[bflag:$0x2] =	sbarrier.arrive $0xFFFF  }
0xb8: {  	[sflag:s0] =	ssyncadd.tile.s32 @!p0 $0x1;
	_ =	shalt  }
.Lfunc_end2:
_tile_overlayer_lowered:
.L_overlay_start_2:
0xb9: {  	(tag) =	ssettag $0x2  }
0xba: {  	s0 =	rddreg [dreg:$0x0];
	s2 =	stileid.u32  }
0xbb: {  	s1 =	rddreg [dreg:$0x1];
	p0 =	sne.s32 s2, $0x0  }
0xbc: {  	s3 =	rddreg [dreg:$0x2];
	[bflag:$0x3] =	sbarrier.arrive $0xFFFF;
	s2 =	simm.s32 @!p0 $0x1C01  }
0xbd: {  	[timem:s3], [sflag:s2] =	dma.local @!p0 [hbm:s0], s1  }
0xbe: {  	s0 =	simm.s32 @!p0 $0x1  }
0xbf: {  	_ =	swait.ge @!p0 [sflag:s0], s1  }
0xc0: {  	s1 =	ssub.s32 @!p0 $0x0, s1;
	[sflag:s0] =	ssyncset.done @!p0 $0x0  }
0xc1: {  	[sflag:s0] =	ssyncadd.s32 @!p0 s1  }
0xc2: {  	[bflag:$0x3] =	sbarrier.arrive $0xFFFF  }
0xc3: {  	_ =	shalt  }

</sc_bundles>
